<compile_context>
chip_gen: v7x
topology: tpu7x:2x2x1
jax: 0.10.2.dev20260603
libtpu: 0.0.44.dev20260713+nightly
codegen_flags: <defaults>
</compile_context>

<pallas_src>
import functools

import jax
import jax.numpy as jnp
from jax import lax
from jax.experimental import pallas as pl
from jax.experimental.pallas import tpu as pltpu
from jax.experimental.pallas import tpu_sc as plsc

_KNN = 20
_H = 16
_N = 256
_L = _N * _KNN
_NC = 2
_NS = 16
_NW = _NC * _NS
_ROWS_PER_W = _N // _NW


def _sc_gather_body(table_hbm, dv_hbm, g_hbm, idx_v, rows_v, sem):
    wid = lax.axis_index("s") * _NC + lax.axis_index("c")
    base = wid * _ROWS_PER_W
    pltpu.sync_copy(dv_hbm.at[pl.ds(base, _ROWS_PER_W)], idx_v)
    pltpu.async_copy(table_hbm.at[idx_v], rows_v, sem).wait()
    pltpu.sync_copy(rows_v, g_hbm.at[pl.ds(base, _ROWS_PER_W)])


@functools.cache
def _sc_gather():
    return pl.kernel(
        _sc_gather_body,
        compiler_params=pltpu.CompilerParams(
            use_tc_tiling_on_sc=False, needs_layout_passes=False),
        mesh=plsc.VectorSubcoreMesh(
            core_axis_name="c", subcore_axis_name="s",
            num_cores=_NC, num_subcores=_NS),
        out_type=jax.ShapeDtypeStruct((_N, _H), jnp.float32),
        scratch_types=[
            pltpu.VMEM((_ROWS_PER_W,), jnp.int32),
            pltpu.VMEM((_ROWS_PER_W, _H), jnp.float32),
            pltpu.SemaphoreType.DMA,
        ],
    )


_BLK_A = 16


def _tc_mask_body(cm_ref, b_ref):
    jj = lax.broadcasted_iota(jnp.int32, (_N, _L), 1) // _KNN
    aa = lax.broadcasted_iota(jnp.int32, (_N, _L), 0)
    ef = (jj == aa).astype(jnp.float32)
    m = lax.dot_general(cm_ref[...], ef, (((1,), (0,)), ((), ())),
                        preferred_element_type=jnp.float32)
    b_ref[...] = jnp.concatenate([1.0 - m, m], axis=0)


def _tc_mask(cm2, interpret=False):
    return pl.pallas_call(
        _tc_mask_body,
        out_shape=jax.ShapeDtypeStruct((2, _L), jnp.float32),
        interpret=interpret,
    )(cm2)


def _tc_expand_body(g_ref, b_ref, mt_ref, out_ref):
    g = g_ref[...]
    mt = mt_ref[...]
    q = lax.dot_general(g, mt, (((1,), (1,)), ((), ())),
                        preferred_element_type=jnp.float32)
    rr = lax.broadcasted_iota(jnp.int32, (_BLK_A * _KNN, _BLK_A), 0) // _KNN
    pp = lax.broadcasted_iota(jnp.int32, (_BLK_A * _KNN, _BLK_A), 1)
    e = (rr == pp).astype(jnp.float32)
    qe = lax.dot_general(e, q, (((1,), (0,)), ((), ())),
                         preferred_element_type=jnp.float32)
    vals = lax.dot_general(qe, b_ref[...], (((1,), (0,)), ((), ())),
                           preferred_element_type=jnp.float32)
    out_ref[...] = vals.reshape(1, 1, _BLK_A * _KNN, _L)


def _tc_expand(g, m, mask_table, interpret=False):
    return pl.pallas_call(
        _tc_expand_body,
        grid=(_N // _BLK_A,),
        in_specs=[
            pl.BlockSpec((_BLK_A, _H), lambda t: (t, 0)),
            pl.BlockSpec((2, _L), lambda t: (0, 0)),
            pl.BlockSpec((2, _H), lambda t: (0, 0)),
        ],
        out_specs=pl.BlockSpec((1, 1, _BLK_A * _KNN, _L), lambda t: (0, 0, t, 0)),
        out_shape=jax.ShapeDtypeStruct((1, 1, _L, _L), jnp.float32),
        interpret=interpret,
    )(g, m, mask_table)


@jax.jit
def kernel(c_mask, degrees_vec, edge_table, mask_table):
    g = _sc_gather()(edge_table, degrees_vec)
    cm2 = c_mask.astype(jnp.float32).reshape(1, _N)
    b = _tc_mask(cm2)
    return _tc_expand(g, b, mask_table)

# --- scband reference (transcript-rebuilt; emitter-appended) ---
"""Pipeline reference for scband-edge-bias-encoding-9414568312869 (READ-ONLY COPY).

The authoritative reference and input builder live on the scoring server;
editing this copy changes nothing except your own understanding.
"""

import jax, jax.numpy as jnp
import numpy as np

KNN = 20
H = 16
EDGE_DICT_DIM = 1000
N = 256


def setup_inputs(seed: int = 0) -> dict:
    key = jax.random.key(seed)
    k1, k2, k3, k4 = jax.random.split(key, 4)
    c_mask = jax.random.randint(k1, (N,), 0, 2, dtype=jnp.int32)
    degrees_vec = jax.random.randint(k2, (N,), 0, EDGE_DICT_DIM, dtype=jnp.int32)
    edge_table = jax.random.normal(k3, (EDGE_DICT_DIM, H), dtype=jnp.float32)
    mask_table = jax.random.normal(k4, (2, H), dtype=jnp.float32)
    return {"c_mask": c_mask, "degrees_vec": degrees_vec, "edge_table": edge_table, "mask_table": mask_table}


def reference(c_mask, degrees_vec, edge_table, mask_table):
    # c_mask.repeat_interleave(knn).unsqueeze(-1) -> [L, 1]
    cm = jnp.repeat(c_mask, KNN)[:, None].astype(jnp.int32)
    dv = jnp.repeat(degrees_vec, KNN)[:, None].astype(jnp.int32)
    # embedding lookups (gather)
    d = jnp.take(edge_table, dv, axis=0)   # [L, 1, H]
    c = jnp.take(mask_table, cm, axis=0)   # [L, 1, H]
    # transpose(0, 1)
    d = jnp.transpose(d, (1, 0, 2))         # [1, L, H]
    c = jnp.transpose(c, (1, 0, 2))         # [1, L, H]
    # transpose(-2, -1)
    c = jnp.transpose(c, (0, 2, 1))         # [1, H, L]
    x = jnp.matmul(d, c)                    # [1, L, L]
    x = x[None]                             # [1, 1, L, L]
    return x

if __name__ == "__main__":
    import jax
    _d = setup_inputs()
    print(jax.jit(kernel)(*tuple(_d.values())))

</pallas_src>

<mosaic_0001>
#map = affine_map<(d0, d1) -> (0, 0)>
#map1 = affine_map<(d0, d1) -> (0)>
module attributes {stable_mosaic.version = 14 : i64} {
  func.func @_sc_gather_body(%arg0: i32, %arg1: i32, %arg2: memref<1000x16xf32, #tpu.memory_space<hbm>>, %arg3: memref<256xi32, #tpu.memory_space<hbm>>, %arg4: memref<256x16xf32, #tpu.memory_space<hbm>>, %arg5: memref<8xi32, #tpu.memory_space<vmem>>, %arg6: memref<8x16xf32, #tpu.memory_space<vmem>>, %arg7: memref<!tpu.dma_semaphore, #tpu.memory_space<semaphore_mem>>) attributes {dimension_semantics = [#tpu.dimension_semantics<core_parallel>, #tpu.dimension_semantics<subcore_parallel>], iteration_bounds = array<i64: 2, 16>, scalar_prefetch = 0 : i64, scratch_operands = 3 : i64, tpu.core_type = #tpu.core_type<sc_vector_subcore>, window_params = [{transform_indices = #map}, {transform_indices = #map1}, {transform_indices = #map}]} {
    %mul3A = arith.constant 2 : i32
    %mul3A_0 = arith.muli %arg1, %mul3A : i32
    %add3A = arith.addi %mul3A_0, %arg0 : i32
    %mul3A_1 = arith.constant 8 : i32
    %mul3A_2 = arith.muli %add3A, %mul3A_1 : i32
    "tpu.region"() ({
      %run_scoped3A = tpu.sem_alloc : memref<!tpu.dma_semaphore, #tpu.memory_space<semaphore_mem>>
      %dma_start3A_7 = tpu.memref_slice %arg3[%mul3A_2] : memref<256xi32, #tpu.memory_space<hbm>> -> memref<8xi32, #tpu.memory_space<hbm>>
      %dma_start3A_8 = tpu.memref_slice %arg3[%mul3A_2] : memref<256xi32, #tpu.memory_space<hbm>> -> memref<8xi32, #tpu.memory_space<hbm>>
      tpu.enqueue_dma source(%dma_start3A_8 : memref<8xi32, #tpu.memory_space<hbm>>) target(%arg5 : memref<8xi32, #tpu.memory_space<vmem>>) target_semaphore(%run_scoped3A : memref<!tpu.dma_semaphore, #tpu.memory_space<semaphore_mem>>)
      %dma_wait3A_9 = tpu.memref_slice %arg3[%mul3A_2] : memref<256xi32, #tpu.memory_space<hbm>> -> memref<8xi32, #tpu.memory_space<hbm>>
      %dma_wait3A_10 = tpu.memref_slice %arg3[%mul3A_2] : memref<256xi32, #tpu.memory_space<hbm>> -> memref<8xi32, #tpu.memory_space<hbm>>
      tpu.wait_dma2 semaphore(%run_scoped3A : memref<!tpu.dma_semaphore, #tpu.memory_space<semaphore_mem>>) src(%dma_wait3A_10 : memref<8xi32, #tpu.memory_space<hbm>>) dst(%arg5 : memref<8xi32, #tpu.memory_space<vmem>>)
      tpu.yield
    }) : () -> ()
    %dma_start3A = arith.constant 0 : i32
    %dma_start3A_3 = arith.constant 0 : i32
    %dma_start3A_4 = tpu.memref_slice %arg2[%dma_start3A, %dma_start3A_3] : memref<1000x16xf32, #tpu.memory_space<hbm>> -> memref<1000x16xf32, #tpu.memory_space<hbm>>
    tpu.enqueue_indirect_dma source(%dma_start3A_4 : memref<1000x16xf32, #tpu.memory_space<hbm>>) target(%arg6 : memref<8x16xf32, #tpu.memory_space<vmem>>) offsets(%arg5 : memref<8xi32, #tpu.memory_space<vmem>>) semaphore(%arg7 : memref<!tpu.dma_semaphore, #tpu.memory_space<semaphore_mem>>)
    %dma_wait3A = arith.constant 0 : i32
    %dma_wait3A_5 = arith.constant 0 : i32
    %dma_wait3A_6 = tpu.memref_slice %arg2[%dma_wait3A, %dma_wait3A_5] : memref<1000x16xf32, #tpu.memory_space<hbm>> -> memref<1000x16xf32, #tpu.memory_space<hbm>>
    tpu.wait_indirect_dma semaphore(%arg7 : memref<!tpu.dma_semaphore, #tpu.memory_space<semaphore_mem>>) src(%dma_wait3A_6 : memref<1000x16xf32, #tpu.memory_space<hbm>>) dst(%arg6 : memref<8x16xf32, #tpu.memory_space<vmem>>)
    "tpu.region"() ({
      %run_scoped3A = tpu.sem_alloc : memref<!tpu.dma_semaphore, #tpu.memory_space<semaphore_mem>>
      %dma_start3A_7 = arith.constant 0 : i32
      %dma_start3A_8 = tpu.memref_slice %arg4[%mul3A_2, %dma_start3A_7] : memref<256x16xf32, #tpu.memory_space<hbm>> -> memref<8x16xf32, #tpu.memory_space<hbm>>
      %dma_start3A_9 = arith.constant 0 : i32
      %dma_start3A_10 = tpu.memref_slice %arg4[%mul3A_2, %dma_start3A_9] : memref<256x16xf32, #tpu.memory_space<hbm>> -> memref<8x16xf32, #tpu.memory_space<hbm>>
      tpu.enqueue_dma source(%arg6 : memref<8x16xf32, #tpu.memory_space<vmem>>) target(%dma_start3A_10 : memref<8x16xf32, #tpu.memory_space<hbm>>) target_semaphore(%run_scoped3A : memref<!tpu.dma_semaphore, #tpu.memory_space<semaphore_mem>>)
      %dma_wait3A_11 = arith.constant 0 : i32
      %dma_wait3A_12 = tpu.memref_slice %arg4[%mul3A_2, %dma_wait3A_11] : memref<256x16xf32, #tpu.memory_space<hbm>> -> memref<8x16xf32, #tpu.memory_space<hbm>>
      %dma_wait3A_13 = arith.constant 0 : i32
      %dma_wait3A_14 = tpu.memref_slice %arg4[%mul3A_2, %dma_wait3A_13] : memref<256x16xf32, #tpu.memory_space<hbm>> -> memref<8x16xf32, #tpu.memory_space<hbm>>
      tpu.wait_dma2 semaphore(%run_scoped3A : memref<!tpu.dma_semaphore, #tpu.memory_space<semaphore_mem>>) src(%arg6 : memref<8x16xf32, #tpu.memory_space<vmem>>) dst(%dma_wait3A_14 : memref<8x16xf32, #tpu.memory_space<hbm>>)
      tpu.yield
    }) : () -> ()
    return
  }
}

module attributes {stable_mosaic.version = 14 : i64} {
  func.func @_tc_mask_body(%arg0: memref<1x256xf32, #tpu.memory_space<vmem>>, %arg1: memref<2x5120xf32, #tpu.memory_space<vmem>>) attributes {dimension_semantics = [], scalar_prefetch = 0 : i64, scratch_operands = 0 : i64, tpu.core_type = #tpu.core_type<tc>} {
    %iota3A = tpu.iota {dimensions = array<i32: 1>} : vector<256x5120xi32>
    %jit3A = arith.constant 20 : i32
    %div3A = vector.broadcast %jit3A : i32 to vector<256x5120xi32>
    %div3A_0 = arith.divsi %iota3A, %div3A : vector<256x5120xi32>
    %sign3A = arith.constant 0 : i32
    %sign3A_1 = vector.broadcast %sign3A : i32 to vector<256x5120xi32>
    %sign3A_2 = arith.cmpi sgt, %iota3A, %sign3A_1 : vector<256x5120xi32>
    %sign3A_3 = arith.extui %sign3A_2 : vector<256x5120xi1> to vector<256x5120xi32>
    %sign3A_4 = arith.constant 0 : i32
    %sign3A_5 = vector.broadcast %sign3A_4 : i32 to vector<256x5120xi32>
    %sign3A_6 = arith.cmpi slt, %iota3A, %sign3A_5 : vector<256x5120xi32>
    %sign3A_7 = arith.extui %sign3A_6 : vector<256x5120xi1> to vector<256x5120xi32>
    %sign3A_8 = arith.subi %sign3A_3, %sign3A_7 : vector<256x5120xi32>
    %sign3A_9 = arith.constant 0 : i32
    %sign3A_10 = arith.cmpi sgt, %jit3A, %sign3A_9 : i32
    %sign3A_11 = arith.extui %sign3A_10 : i1 to i32
    %sign3A_12 = arith.constant 0 : i32
    %sign3A_13 = arith.cmpi slt, %jit3A, %sign3A_12 : i32
    %sign3A_14 = arith.extui %sign3A_13 : i1 to i32
    %sign3A_15 = arith.subi %sign3A_11, %sign3A_14 : i32
    %ne3A = vector.broadcast %sign3A_15 : i32 to vector<256x5120xi32>
    %ne3A_16 = arith.cmpi ne, %sign3A_8, %ne3A : vector<256x5120xi32>
    %rem3A = vector.broadcast %jit3A : i32 to vector<256x5120xi32>
    %rem3A_17 = arith.remsi %iota3A, %rem3A : vector<256x5120xi32>
    %ne3A_18 = arith.constant 0 : i32
    %ne3A_19 = vector.broadcast %ne3A_18 : i32 to vector<256x5120xi32>
    %ne3A_20 = arith.cmpi ne, %rem3A_17, %ne3A_19 : vector<256x5120xi32>
    %and3A = arith.andi %ne3A_16, %ne3A_20 : vector<256x5120xi1>
    %sub3A = arith.constant 1 : i32
    %sub3A_21 = vector.broadcast %sub3A : i32 to vector<256x5120xi32>
    %sub3A_22 = arith.subi %div3A_0, %sub3A_21 : vector<256x5120xi32>
    %select_n3A = arith.select %and3A, %sub3A_22, %div3A_0 : vector<256x5120xi1>, vector<256x5120xi32>
    %iota3A_23 = tpu.iota {dimensions = array<i32: 0>} : vector<256x5120xi32>
    %eq3A = arith.cmpi eq, %select_n3A, %iota3A_23 : vector<256x5120xi32>
    %convert_element_type3A = arith.extui %eq3A : vector<256x5120xi1> to vector<256x5120xi32>
    %convert_element_type3A_24 = arith.sitofp %convert_element_type3A : vector<256x5120xi32> to vector<256x5120xf32>
    %get3A = arith.constant 0 : index
    %get3A_25 = arith.constant 0 : index
    %get3A_26 = vector.load %arg0[%get3A, %get3A_25] : memref<1x256xf32, #tpu.memory_space<vmem>>, vector<1x256xf32>
    %dot_general3A = arith.constant dense<0.000000e+00> : vector<1x5120xf32>
    %dot_general3A_27 = tpu.matmul %get3A_26, %convert_element_type3A_24, %dot_general3A {dimension_numbers = #tpu.dot_dimension_numbers<[1], [0], [0], [1], [0, 0, 1, 1], [], []>, transpose_lhs_hint = false} : vector<1x256xf32>, vector<256x5120xf32>, vector<1x5120xf32> -> vector<1x5120xf32>
    %sub3A_28 = arith.constant 1.000000e+00 : f32
    %sub3A_29 = vector.broadcast %sub3A_28 : f32 to vector<1x5120xf32>
    %sub3A_30 = arith.subf %sub3A_29, %dot_general3A_27 : vector<1x5120xf32>
    %concatenate3A = tpu.concatenate %sub3A_30, %dot_general3A_27 in 0 : vector<1x5120xf32>, vector<1x5120xf32> -> vector<2x5120xf32>
    %swap3A = arith.constant 0 : index
    %swap3A_31 = arith.constant 0 : index
    %swap3A_32 = vector.load %arg1[%swap3A, %swap3A_31] : memref<2x5120xf32, #tpu.memory_space<vmem>>, vector<2x5120xf32>
    tpu.vector_store %arg1[%swap3A, %swap3A_31], %concatenate3A {strides = array<i32>} : memref<2x5120xf32, #tpu.memory_space<vmem>>, vector<2x5120xf32>,
    return
  }
}

module attributes {stable_mosaic.version = 14 : i64} {
  func.func @_tc_expand_body(%arg0: i32, %arg1: memref<16x16xf32, #tpu.memory_space<vmem>>, %arg2: memref<2x5120xf32, #tpu.memory_space<vmem>>, %arg3: memref<2x16xf32, #tpu.memory_space<vmem>>, %arg4: memref<1x1x320x5120xf32, #tpu.memory_space<vmem>>) attributes {dimension_semantics = [#tpu.dimension_semantics<arbitrary>], iteration_bounds = array<i64: 16>, scalar_prefetch = 0 : i64, scratch_operands = 0 : i64, tpu.core_type = #tpu.core_type<tc>, window_params = [{transform_indices = @transform_0, window_bounds = array<i64: 16, 16>}, {pipeline_mode = #tpu.pipeline_mode<synchronous>, transform_indices = @transform_1, window_bounds = array<i64: 2, 5120>}, {pipeline_mode = #tpu.pipeline_mode<synchronous>, transform_indices = @transform_2, window_bounds = array<i64: 2, 16>}, {transform_indices = @transform_3, window_bounds = array<i64: 1, 1, 320, 5120>}]} {
    %get3A = arith.constant 0 : index
    %get3A_0 = arith.constant 0 : index
    %get3A_1 = vector.load %arg1[%get3A, %get3A_0] : memref<16x16xf32, #tpu.memory_space<vmem>>, vector<16x16xf32>
    %get3A_2 = arith.constant 0 : index
    %get3A_3 = arith.constant 0 : index
    %get3A_4 = vector.load %arg3[%get3A_2, %get3A_3] : memref<2x16xf32, #tpu.memory_space<vmem>>, vector<2x16xf32>
    %dot_general3A = arith.constant dense<0.000000e+00> : vector<16x2xf32>
    %dot_general3A_5 = tpu.matmul %get3A_1, %get3A_4, %dot_general3A {dimension_numbers = #tpu.dot_dimension_numbers<[1], [1], [0], [0], [0, 0, 1, 0], [], []>, transpose_lhs_hint = false} : vector<16x16xf32>, vector<2x16xf32>, vector<16x2xf32> -> vector<16x2xf32>
    %iota3A = tpu.iota {dimensions = array<i32: 0>} : vector<320x16xi32>
    %jit3A = arith.constant 20 : i32
    %div3A = vector.broadcast %jit3A : i32 to vector<320x16xi32>
    %div3A_6 = arith.divsi %iota3A, %div3A : vector<320x16xi32>
    %sign3A = arith.constant 0 : i32
    %sign3A_7 = vector.broadcast %sign3A : i32 to vector<320x16xi32>
    %sign3A_8 = arith.cmpi sgt, %iota3A, %sign3A_7 : vector<320x16xi32>
    %sign3A_9 = arith.extui %sign3A_8 : vector<320x16xi1> to vector<320x16xi32>
    %sign3A_10 = arith.constant 0 : i32
    %sign3A_11 = vector.broadcast %sign3A_10 : i32 to vector<320x16xi32>
    %sign3A_12 = arith.cmpi slt, %iota3A, %sign3A_11 : vector<320x16xi32>
    %sign3A_13 = arith.extui %sign3A_12 : vector<320x16xi1> to vector<320x16xi32>
    %sign3A_14 = arith.subi %sign3A_9, %sign3A_13 : vector<320x16xi32>
    %sign3A_15 = arith.constant 0 : i32
    %sign3A_16 = arith.cmpi sgt, %jit3A, %sign3A_15 : i32
    %sign3A_17 = arith.extui %sign3A_16 : i1 to i32
    %sign3A_18 = arith.constant 0 : i32
    %sign3A_19 = arith.cmpi slt, %jit3A, %sign3A_18 : i32
    %sign3A_20 = arith.extui %sign3A_19 : i1 to i32
    %sign3A_21 = arith.subi %sign3A_17, %sign3A_20 : i32
    %ne3A = vector.broadcast %sign3A_21 : i32 to vector<320x16xi32>
    %ne3A_22 = arith.cmpi ne, %sign3A_14, %ne3A : vector<320x16xi32>
    %rem3A = vector.broadcast %jit3A : i32 to vector<320x16xi32>
    %rem3A_23 = arith.remsi %iota3A, %rem3A : vector<320x16xi32>
    %ne3A_24 = arith.constant 0 : i32
    %ne3A_25 = vector.broadcast %ne3A_24 : i32 to vector<320x16xi32>
    %ne3A_26 = arith.cmpi ne, %rem3A_23, %ne3A_25 : vector<320x16xi32>
    %and3A = arith.andi %ne3A_22, %ne3A_26 : vector<320x16xi1>
    %sub3A = arith.constant 1 : i32
    %sub3A_27 = vector.broadcast %sub3A : i32 to vector<320x16xi32>
    %sub3A_28 = arith.subi %div3A_6, %sub3A_27 : vector<320x16xi32>
    %select_n3A = arith.select %and3A, %sub3A_28, %div3A_6 : vector<320x16xi1>, vector<320x16xi32>
    %iota3A_29 = tpu.iota {dimensions = array<i32: 1>} : vector<320x16xi32>
    %eq3A = arith.cmpi eq, %select_n3A, %iota3A_29 : vector<320x16xi32>
    %convert_element_type3A = arith.extui %eq3A : vector<320x16xi1> to vector<320x16xi32>
    %convert_element_type3A_30 = arith.sitofp %convert_element_type3A : vector<320x16xi32> to vector<320x16xf32>
    %dot_general3A_31 = arith.constant dense<0.000000e+00> : vector<320x2xf32>
    %dot_general3A_32 = tpu.matmul %convert_element_type3A_30, %dot_general3A_5, %dot_general3A_31 {dimension_numbers = #tpu.dot_dimension_numbers<[1], [0], [0], [1], [0, 0, 1, 1], [], []>, transpose_lhs_hint = false} : vector<320x16xf32>, vector<16x2xf32>, vector<320x2xf32> -> vector<320x2xf32>
    %get3A_33 = arith.constant 0 : index
    %get3A_34 = arith.constant 0 : index
    %get3A_35 = vector.load %arg2[%get3A_33, %get3A_34] : memref<2x5120xf32, #tpu.memory_space<vmem>>, vector<2x5120xf32>
    %dot_general3A_36 = arith.constant dense<0.000000e+00> : vector<320x5120xf32>
    %dot_general3A_37 = tpu.matmul %dot_general3A_32, %get3A_35, %dot_general3A_36 {dimension_numbers = #tpu.dot_dimension_numbers<[1], [0], [0], [1], [0, 0, 1, 1], [], []>, transpose_lhs_hint = false} : vector<320x2xf32>, vector<2x5120xf32>, vector<320x5120xf32> -> vector<320x5120xf32>
    %reshape3A = vector.shape_cast %dot_general3A_37 : vector<320x5120xf32> to vector<1x1x320x5120xf32>
    %swap3A = arith.constant 0 : index
    %swap3A_38 = arith.constant 0 : index
    %swap3A_39 = arith.constant 0 : index
    %swap3A_40 = arith.constant 0 : index
    %swap3A_41 = vector.load %arg4[%swap3A, %swap3A_38, %swap3A_39, %swap3A_40] : memref<1x1x320x5120xf32, #tpu.memory_space<vmem>>, vector<1x1x320x5120xf32>
    tpu.vector_store %arg4[%swap3A, %swap3A_38, %swap3A_39, %swap3A_40], %reshape3A {strides = array<i32>} : memref<1x1x320x5120xf32, #tpu.memory_space<vmem>>, vector<1x1x320x5120xf32>,
    return
  }
  func.func @transform_0(%arg0: i32) -> (i32, i32) {
    %c0_i32 = arith.constant 0 : i32
    %c0_i32_0 = arith.constant 0 : i32
    return %arg0, %c0_i32 : i32, i32
  }
  func.func @transform_1(%arg0: i32) -> (i32, i32) {
    %c0_i32 = arith.constant 0 : i32
    %c0_i32_0 = arith.constant 0 : i32
    %c0_i32_1 = arith.constant 0 : i32
    return %c0_i32, %c0_i32_0 : i32, i32
  }
  func.func @transform_2(%arg0: i32) -> (i32, i32) {
    %c0_i32 = arith.constant 0 : i32
    %c0_i32_0 = arith.constant 0 : i32
    %c0_i32_1 = arith.constant 0 : i32
    return %c0_i32, %c0_i32_0 : i32, i32
  }
  func.func @transform_3(%arg0: i32) -> (i32, i32, i32, i32) {
    %c0_i32 = arith.constant 0 : i32
    %c0_i32_0 = arith.constant 0 : i32
    %c0_i32_1 = arith.constant 0 : i32
    %c0_i32_2 = arith.constant 0 : i32
    return %c0_i32, %c0_i32_0, %arg0, %c0_i32_1 : i32, i32, i32, i32
  }
}

</mosaic_0001>

<sc_bundles>
// kernel: kernel.5.cloned.1.call-start
scs
__scs_entry_jumppad:
0x0: {  	(pc) =	sbr.rel $0x88, $3  }
0x1: {  	(tag) =	ssettag $0x0;
	lr =	simm.s32 $0x1  }
0x2: {  	[smem:$0x3F9D] =	sst lr;
	_ =	strace $0xD0000000  }
0x3: {  	_ = 	snop  }
0x4: {  	_ = 	snop  }
0x5: {  	_ = 	snop  }
0x6: {  	_ = 	snop  }
0x7: {  	_ = 	snop  }
__scs_overlays_trampoline_lowered:
0x8: {  	[smem:$0x3FAC] =	sst s0  }
0x9: {  	[smem:$0x3FAD] =	sst s1  }
0xa: {  	[smem:$0x3FAE] =	sst s2  }
0xb: {  	[smem:$0x3FAF] =	sst s3  }
0xc: {  	[smem:$0x3FB0] =	sst s4  }
0xd: {  	[smem:$0x3FB1] =	sst s5  }
0xe: {  	[smem:$0x3FB2] =	sst s6  }
0xf: {  	[smem:$0x3FB3] =	sst s7  }
0x10: {  	[smem:$0x3FB4] =	sst s8  }
0x11: {  	[smem:$0x3FB5] =	sst s9;
	s0 =	simm.s32 @!p0 $0x0  }
0x12: {  	s1 =	sld [smem:$0x3F9B];
	s0 =	simm.s32 @p0 $0x1  }
0x13: {  	[smem:$0x3FB6] =	sst s0;
	s0 =	simm.s32 @!p1 $0x0  }
0x14: {  	s2 =	sld [smem:$0x3F9A];
	s0 =	simm.s32 @p1 $0x1  }
0x15: {  	[smem:$0x3FB7] =	sst s0;
	s0 =	simm.s32 @!p2 $0x0  }
0x16: {  	s3 =	sld [smem:$0x3FDB];
	s0 =	simm.s32 @p2 $0x1  }
0x17: {  	s4 =	simm.s32 $0x1BF5;
	[smem:$0x3FB9] =	sst s0  }
0x18: {  	s0 =	sld [smem:$0x3F9C];
	_ =	swait.ge [sflag:s4], $0x0  }
0x19: {  	s7 =	sld [smem:$0x3F9D]  }
0x1a: {  	s8 =	sadd.s32 $0xFFFFE003, lr  }
0x1b: {  	s9 =	sadd.s32 $0xFFFFFEF7, lr;
	s5 =	simm.s32 $0xFFFFFFFF;
	p2 =	slt.u32 s8, $0xFFFFF086  }
0x1c: {  	p1 =	slt.u32 s9, $0xF7A;
	s5 =	simm.s32 @!p2 $0x0  }
0x1d: {  	s5 =	simm.s32 @p1 $0x1;
	p0 =	seq.s32 s7, s2  }
0x1e: {  	s7 =	smul.u32 @!p0 $0xF7A, s2;
	p2 =	seq.s32 @!p0 s5, $0x0  }
0x1f: {  	s9 =	smul.u32 $0xF7A, s1;
	s8 =	simm.s32 @!p0 $0x1BF5;
	p2 =	por !p2, p0  }
0x20: {  	[sflag:s8] =	ssyncset.s32 @!p0 $0xFFFFF086;
	s6 =	sadd.s32 @!p0 s3, s7;
	s7 =	simm.s32 @!p0 $0x108  }
0x21: {  	s3 =	sadd.s32 s3, s9;
	s6 =	sadd.s32 @!p0 $0x88, s6;
	s7 =	simm.s32 @p2 $0x1082  }
0x22: {  	[simem:s7], [sflag:s8] =	dma.local @!p0 [hbm:s6], $0xF7A  }
0x23: {  	s9 =	sor.u32 $0xD0000000, s2;
	s6 =	simm.s32 $0x108;
	_ =	swait.ge @!p0 [sflag:s8], $0x0  }
0x24: {  	s3 =	sadd.s32 $0x88, s3;
	s6 =	simm.s32 @!p1 $0x1082;
	[sflag:s4] =	ssyncset.s32 $0xFFFFF086  }
0x25: {  	[simem:s6], [sflag:s4] =	dma.local [hbm:s3], $0xF7A  }
0x26: {  	[smem:$0x3F9D] =	sst s1;
	(tag) =	ssettag s2;
	_ =	strace s9  }
0x27: {  	s1 =	sld [smem:$0x3FAD]  }
0x28: {  	s2 =	sld [smem:$0x3FAE]  }
0x29: {  	s4 =	sld [smem:$0x3FB0]  }
0x2a: {  	p0 =	seq.s32 s5, $0x0;
	s5 =	sld [smem:$0x3FB1]  }
0x2b: {  	s6 =	sld [smem:$0x3FB2]  }
0x2c: {  	s7 =	sld [smem:$0x3FB3]  }
0x2d: {  	s3 =	simm.s32 $0x108;
	s8 =	sld [smem:$0x3FB4]  }
0x2e: {  	s3 =	simm.s32 @!p0 $0x1082;
	s9 =	sld [smem:$0x3FB5]  }
0x2f: {  	lr =	sadd.s32 s0, s3;
	s0 =	sld [smem:$0x3FAC]  }
0x30: {  	s3 =	sld [smem:$0x3FAF]  }
0x31: {  	[smem:$0x3FB8] =	sst s10  }
0x32: {  	s10 =	sld [smem:$0x3FB6];
	_ =	sdelay $0x3  }
0x33: {  	p0 =	seq.s32 s10, $0x1;
	s10 =	sld [smem:$0x3FB8];
	_ =	sdelay $0x3  }
0x34: {  	[smem:$0x3FB8] =	sst s10  }
0x35: {  	s10 =	sld [smem:$0x3FB7];
	_ =	sdelay $0x3  }
0x36: {  	p1 =	seq.s32 s10, $0x1;
	s10 =	sld [smem:$0x3FB8];
	_ =	sdelay $0x3  }
0x37: {  	[smem:$0x3FB8] =	sst s10  }
0x38: {  	s10 =	sld [smem:$0x3FB9]  }
0x39: {  	_ = 	snop;
	(pc) =	sbr.ind lr, $3  }
0x3a: {  	_ = 	snop  }
0x3b: {  	_ = 	snop  }
0x3c: {  	p2 =	seq.s32 s10, $0x1;
	s10 =	sld [smem:$0x3FB8]  }
0x3d: {  	_ =	shalt  }
0x3e: {  	_ =	shalt  }
0x3f: {  	_ =	shalt  }
0x40: {  	_ =	shalt  }
0x41: {  	_ =	shalt  }
0x42: {  	_ =	shalt  }
0x43: {  	_ =	shalt  }
0x44: {  	_ =	shalt  }
0x45: {  	_ =	shalt  }
0x46: {  	_ =	shalt  }
0x47: {  	_ =	shalt  }
0x48: {  	_ =	shalt  }
0x49: {  	_ =	shalt  }
0x4a: {  	_ =	shalt  }
0x4b: {  	_ =	shalt  }
0x4c: {  	_ =	shalt  }
0x4d: {  	_ =	shalt  }
0x4e: {  	_ =	shalt  }
0x4f: {  	_ =	shalt  }
0x50: {  	_ =	shalt  }
0x51: {  	_ =	shalt  }
0x52: {  	_ =	shalt  }
0x53: {  	_ =	shalt  }
0x54: {  	_ =	shalt  }
0x55: {  	_ =	shalt  }
0x56: {  	_ =	shalt  }
0x57: {  	_ =	shalt  }
0x58: {  	_ =	shalt  }
0x59: {  	_ =	shalt  }
0x5a: {  	_ =	shalt  }
0x5b: {  	_ =	shalt  }
0x5c: {  	_ =	shalt  }
0x5d: {  	_ =	shalt  }
0x5e: {  	_ =	shalt  }
0x5f: {  	_ =	shalt  }
0x60: {  	_ =	shalt  }
0x61: {  	_ =	shalt  }
0x62: {  	_ =	shalt  }
0x63: {  	_ =	shalt  }
0x64: {  	_ =	shalt  }
0x65: {  	_ =	shalt  }
0x66: {  	_ =	shalt  }
0x67: {  	_ =	shalt  }
0x68: {  	_ =	shalt  }
0x69: {  	_ =	shalt  }
0x6a: {  	_ =	shalt  }
0x6b: {  	_ =	shalt  }
0x6c: {  	_ =	shalt  }
0x6d: {  	_ =	shalt  }
0x6e: {  	_ =	shalt  }
0x6f: {  	_ =	shalt  }
0x70: {  	_ =	shalt  }
0x71: {  	_ =	shalt  }
0x72: {  	_ =	shalt  }
0x73: {  	_ =	shalt  }
0x74: {  	_ =	shalt  }
0x75: {  	_ =	shalt  }
0x76: {  	_ =	shalt  }
0x77: {  	_ =	shalt  }
0x78: {  	_ =	shalt  }
0x79: {  	_ =	shalt  }
0x7a: {  	_ =	shalt  }
0x7b: {  	_ =	shalt  }
0x7c: {  	_ =	shalt  }
0x7d: {  	_ =	shalt  }
0x7e: {  	_ =	shalt  }
0x7f: {  	_ =	shalt  }
0x80: {  	_ =	shalt  }
0x81: {  	_ =	shalt  }
0x82: {  	_ =	shalt  }
0x83: {  	_ =	shalt  }
0x84: {  	_ =	shalt  }
0x85: {  	_ =	shalt  }
0x86: {  	_ =	shalt  }
0x87: {  	_ =	shalt  }
.Lfunc_end0:
.L_simem_size_0:
called_computation_lowered:
.L_overlay_start_0:
0x88: {  	s2 =	sld [smem:$0x3FD9]  }
0x89: {  	s3 =	sld [smem:$0x3FFE];
	_ =	sdelay $0x1  }
0x8a: {  	s1 =	srdreg.scid  }
0x8b: {  	s0 =	sand.u32 $0x1, s1  }
0x8c: {  	s17 =	sshll.u32 s0, $0xA;
	s2 =	sadd.s32 s3, s2  }
0x8d: {  	s2 =	sadd.s32 s2, s17  }
0x8e: {  	[smem:$0x3FC4] =	sst s2  }
0x8f: {  	_ = 	snop  }
0x90: {  	s2 =	sld [smem:$0x3FC8]  }
0x91: {  	s18 =	sld [smem:$0x3FD0];
	(tm) =	ssettm $0x1  }
0x92: {  	s4 =	sld [smem:$0x3FFB];
	_ =	sdelay $0x3  }
0x93: {  	_ =	strace s4  }
0x94: {  	s4 =	sld [smem:$0x3FFC];
	_ =	sdelay $0x3  }
0x95: {  	_ =	strace s4  }
0x96: {  	s4 =	sld [smem:$0x3FFD];
	_ =	sdelay $0x3  }
0x97: {  	_ =	strace s4  }
0x98: {  	_ =	strace $0x8FFFFFFF  }
0x99: {  	s19 =	sld [smem:$0x3FDB];
	_ =	sdelay $0x1  }
0x9a: {  	s5 =	simm.s32 $_scs_section_size  }
0x9b: {  	s6 =	simm.s32 $_size__tile_overlayer_lowered;
	s7 =	simm.s32 $_tile_overlayer_lowered  }
0x9c: {  	s22 =	simm.s32 $0x1BFF;
	s21 =	sshll.u32 s7, $0x1;
	s4 =	sadd.s32 s5, s19  }
0x9d: {  	s8 =	simm.s32 $0x0;
	s20 =	sshll.u32 s6, $0x1;
	s6 =	sadd.s32 s21, s4  }
0x9e: {  	[timem:s8], [sflag:s22] =	dma.local [hbm:s6], s20  }
0x9f: {  	_ =	swait.ge [sflag:s22], s20  }
0xa0: {  	s5 =	ssub.s32 $0x0, s20;
	[sflag:s22] =	ssyncset.done $0x0  }
0xa1: {  	[sflag:s22] =	ssyncadd.s32 s5;
	_ =	sdelay $0x1  }
0xa2: {  	s23 =	simm.s32 $0x1B8B  }
0xa3: {  	_ =	swait.ge [sflag:s23], $0x1  }
0xa4: {  	[sflag:s23] =	ssyncset.done $0x0  }
0xa5: {  	s25 =	simm.s32 $0x1B8E;
	s24 =	sld [smem:$0x3FFE];
	[sflag:s23] =	ssyncadd.s32 $0xFFFFFFFF  }
0xa6: {  	s26 =	simm.s32 $execute0_lowered;
	[smem:$0x3FD2] =	sst s25  }
0xa7: {  	s6 =	sshll.u32 s26, $0x1;
	_ =	strace $0x80000046;
	[dreg:$0x1] =	wrdreg $0xFFFFFFFF  }
0xa8: {  	s28 =	simm.s32 $_size_execute0_lowered;
	s4 =	sadd.s32 s4, s6;
	[dreg:$0x0] =	wrdreg $0x0  }
0xa9: {  	s6 =	sshll.u32 s28, $0x1;
	[dreg:$0x2] =	wrdreg s4  }
0xaa: {  	[dreg:$0x3] =	wrdreg s6  }
0xab: {  	[dreg:$0x4] =	wrdreg $0xC0  }
0xac: {  	_ =	task [dreg:s8], $0x5FFFF  }
0xad: {  	[dreg:$0x1] =	wrdreg $0xFFFFFFFF  }
0xae: {  	[dreg:$0x0] =	wrdreg $0x60  }
0xaf: {  	[dreg:$0x2] =	wrdreg s18  }
0xb0: {  	[dreg:$0x3] =	wrdreg s2  }
0xb1: {  	[dreg:$0x4] =	wrdreg s24  }
0xb2: {  	[dreg:$0x5] =	wrdreg $0x9  }
0xb3: {  	_ =	task.clear_ibuf [dreg:s8], $0x6FFFF;
	_ =	strace $0x90000046  }
0xb4: {  	s29 =	simm.s32 $0x9;
	_ =	strace $0x80000048  }
0xb5: {  	_ =	swait.ge [sflag:s29], $0x1  }
0xb6: {  	[sflag:s29] =	ssyncadd.s32 $0xFFFFFFFF  }
0xb7: {  	_ =	strace $0x90000048  }
0xb8: {  	_ =	sfence  }
0xb9: {  	s30 =	sld [smem:$0x0];
	_ =	sdelay $0x2  }
0xba: {  	s31 =	sshll.u32 s1, $0xD;
	s1 =	sshrl.u32 s1, $0x2  }
0xbb: {  	s3 =	sand.u32 $0x4000, s31;
	s1 =	sadd.s32 s1, s30  }
0xbc: {  	s0 =	sor.u32 s3, s0;
	s1 =	sshll.u32 s1, $0x11  }
0xbd: {  	s0 =	sor.u32 s1, s0  }
0xbe: {  	s0 =	sadd.s32 $0x8F2B, s0  }
0xbf: {  	[sflag:s0] =	ssyncadd.remote.s32 $0x1  }
0xc0: {  	_ =	sfence.sel $0xFFFF  }
0xc1: {  	[dreg:$0x0] =	wrdreg $0xFFFFFFFF;
	(pc) =	sbr.abs _section_cstart, $3  }
0xc2: {  	[dreg:$0x1] =	wrdreg $0xFFFFFFFF  }
0xc3: {  	_ =	task.clear_ibuf [dreg:s8], $0x2FFFF;
	_ =	strace $0x9FFFFFFF  }
0xc4: {  	(tm) =	ssettm $0x7FFFFFFF  }
0xc5: {  	_ =	shalt  }
tec
execute0_lowered:
.L_overlay_start_1:
0x0: {  	(tag) =	ssettag $0x1  }
0x1: {  	s1 =	rddreg [dreg:$0x0];
	s2 =	srdreg.scid  }
0x2: {  	s4 =	rddreg [dreg:$0x1];
	s0 =	stileid.u32  }
0x3: {  	s8 =	rddreg [dreg:$0x2];
	s3 =	simm.s32 $0x0;
	s6 =	sand.u32 $0x1, s2  }
0x4: {  	s5 =	sshll.u32 s0, $0x4;
	s2 =	rddreg [dreg:$0x3];
	s7 =	sshll.u32 s6, $0x3  }
0x5: {  	[smem:$0x7FF] =	sst s3;
	s9 =	sor.u32 s7, s5  }
0x6: {  	_ =	strace $0x80000047;
	s10 =	ssub.s32 $0x2, s6;
	s5 =	sshrl.u32 s9, $0x3  }
0x7: {  	s6 =	simm.s32 $0x8;
	s5 =	sadd.s32 s4, s5;
	s4 =	simm.s32 $0x2  }
0x8: {  	[tilespmem:s3], [sflag:$0x2] =	stream.linear.gather [hbm4b:s5+s3], $0x8, $0x38;
	[tilespmem:$0x88] =	vst v63  }
0x9: {  	s7 =	simm.s32 $0x1;
	s11 =	sshrl.u32 s10, $0x1;
	_ =	swait.ge [sflag:s4], $0x8  }
0xa: {  	s9 =	sshll.u32 s9, $0x1;
	s31 =	ssub.s32 s10, s11;
	[sflag:s4] =	ssyncset.done $0x0  }
0xb: {  	s8 =	sadd.s32 s9, s8;
	s9 =	smax.u32 s31, $0x1;
	[sflag:s4] =	ssyncadd.s32 $0xFFFFFFF8  }
0xc: {  	[tilespmem:s6], [sflag:$0x1] =	stream.indirect.gather [hbm4b:s1+s6], $0x10, s3, s6, $0xb8;
	[tilespmem:$0x88] =	vst v63  }
0xd: {  	p0 =	sne.s32 s9, $0x1;
	_ =	swait.ge [sflag:s7], $0x80  }
.Ltmp0:
0xe: {  	[sflag:s7] =	ssyncset.done $0x0;
	(pc) =	sbr.rel @!p0 .LBB2_2-.Ltmp0, $4  }
0xf: {  	s8 =	sadd.s32 $0x600, s8;
	[sflag:s7] =	ssyncadd.s32 $0xFFFFFF80  }
0x10: {  	[hbm4b:s8+s3] =	stream.linear.scatter [tilespmem:s6], [sflag:$0x2], $0x80, $0x38;
	[tilespmem:$0x88] =	vst v63  }
0x11: {  	_ =	swait.ge [sflag:s4], $0x80  }
0x12: {  	s9 =	sadd.s32 $0xFFFFFFFF, s9;
	[sflag:s4] =	ssyncset.done $0x0  }
.LBB2_1:
0x13: {  	p0 =	sne.s32 s9, $0x1;
	s9 =	sadd.s32 $0xFFFFFFFF, s9;
	[sflag:s4] =	ssyncadd.s32 $0xFFFFFF80  }
0x14: {  	[tilespmem:s3], [sflag:$0x2] =	stream.linear.gather [hbm4b:s5+s3], $0x8, $0x38;
	[tilespmem:$0x88] =	vst v63  }
0x15: {  	_ =	swait.ge [sflag:s4], $0x8  }
0x16: {  	[sflag:s4] =	ssyncset.done $0x0  }
0x17: {  	[sflag:s4] =	ssyncadd.s32 $0xFFFFFFF8  }
0x18: {  	[tilespmem:s6], [sflag:$0x1] =	stream.indirect.gather [hbm4b:s1+s6], $0x10, s3, s6, $0xb8;
	[tilespmem:$0x88] =	vst v63  }
0x19: {  	_ =	swait.ge [sflag:s7], $0x80  }
.Ltmp1:
0x1a: {  	[sflag:s7] =	ssyncset.done $0x0;
	(pc) =	sbr.rel @p0 .LBB2_1-.Ltmp1, $4  }
0x1b: {  	[sflag:s7] =	ssyncadd.s32 $0xFFFFFF80  }
0x1c: {  	[hbm4b:s8+s3] =	stream.linear.scatter [tilespmem:s6], [sflag:$0x2], $0x80, $0x38;
	[tilespmem:$0x88] =	vst v63  }
0x1d: {  	_ =	swait.ge [sflag:s4], $0x80  }
0x1e: {  	[sflag:s4] =	ssyncset.done $0x0  }
.LBB2_2:
0x1f: {  	[sflag:s4] =	ssyncadd.s32 $0xFFFFFF80  }
0x20: {  	_ =	sfence.sel $0x180000  }
0x21: {  	[bflag:$0x0] =	sbarrier.arrive $0xFFFF  }
0x22: {  	p0 =	sne.s32 s0, $0x0;
	_ =	strace $0x90000047  }
0x23: {  	s0 =	sadd.s32 @!p0 $0x100000, s2;
	[bflag:$0x2] =	sbarrier.arrive $0xFFFF  }
0x24: {  	[sflag:s0] =	ssyncadd.tile.s32 @!p0 $0x1;
	_ =	shalt  }
.Lfunc_end2:
_tile_overlayer_lowered:
.L_overlay_start_2:
0x25: {  	(tag) =	ssettag $0x2  }
0x26: {  	s0 =	rddreg [dreg:$0x0];
	s2 =	stileid.u32  }
0x27: {  	s1 =	rddreg [dreg:$0x1];
	p0 =	sne.s32 s2, $0x0  }
0x28: {  	s3 =	rddreg [dreg:$0x2];
	[bflag:$0x3] =	sbarrier.arrive $0xFFFF;
	s2 =	simm.s32 @!p0 $0x1C02  }
0x29: {  	[timem:s3], [sflag:s2] =	dma.local @!p0 [hbm:s0], s1  }
0x2a: {  	s0 =	simm.s32 @!p0 $0x2  }
0x2b: {  	_ =	swait.ge @!p0 [sflag:s0], s1  }
0x2c: {  	s1 =	ssub.s32 @!p0 $0x0, s1;
	[sflag:s0] =	ssyncset.done @!p0 $0x0  }
0x2d: {  	[sflag:s0] =	ssyncadd.s32 @!p0 s1  }
0x2e: {  	[bflag:$0x3] =	sbarrier.arrive $0xFFFF  }
0x2f: {  	_ =	shalt  }

</sc_bundles>
